<compile_context>
chip_gen: v7x
topology: tpu7x:2x2x1
jax: 0.10.2.dev20260603
libtpu: 0.0.44.dev20260713+nightly
codegen_flags: <defaults>
</compile_context>

<pallas_src>
import functools

import jax
import jax.numpy as jnp
from jax import lax
from jax.experimental import pallas as pl
from jax.experimental.pallas import tpu as pltpu
from jax.experimental.pallas import tpu_sc as plsc

K_CB = 8192
D_CB = 32
TB = 256


def _argmin_body(z_ref, cbt2_ref, insq_ref, cbsq_ref, idx_ref):
    fl = z_ref[...]
    cbt = cbt2_ref[...]
    zb = fl.astype(jnp.bfloat16)
    cbtb = cbt.astype(jnp.bfloat16)
    mm = jax.lax.dot_general(zb, cbtb, (((1,), (0,)), ((), ())),
                             preferred_element_type=jnp.float32)
    insq = insq_ref[...]
    cbsq = cbsq_ref[...]
    dist = (cbsq[None, :] + insq[:, None]) + 2.0 * mm

    def argmin_first(dhalf, offs):
        m = jnp.min(dhalf, axis=1)
        ii = lax.broadcasted_iota(jnp.int32, dhalf.shape, 1)
        return m, jnp.min(jnp.where(dhalf == m[:, None], ii, K_CB), axis=1) + offs

    vA, iA = argmin_first(dist[:, : K_CB // 2], 0)
    vB, iB = argmin_first(dist[:, K_CB // 2:], K_CB // 2)
    ai = vA.view(jnp.int32)
    bias = ((ai >> 16) & 1) + 0x7FFF
    vA16 = ((ai + bias) & ~jnp.int32(0xFFFF)).view(jnp.float32)
    pickA = vA16 <= vB
    idx_ref[...] = jnp.where(pickA, iA, iB)


def _vq_argmin(flat, cbt2, insq, cbsq):
    bn = flat.shape[0]
    return pl.pallas_call(
        _argmin_body,
        grid=(bn // TB,),
        in_specs=[
            pl.BlockSpec((TB, D_CB), lambda i: (i, 0)),
            pl.BlockSpec((D_CB, K_CB), lambda i: (0, 0)),
            pl.BlockSpec((TB,), lambda i: (i,)),
            pl.BlockSpec((K_CB,), lambda i: (0,)),
        ],
        out_specs=pl.BlockSpec((TB,), lambda i: (i,)),
        out_shape=jax.ShapeDtypeStruct((bn,), jnp.int32),
    )(flat, cbt2, insq, cbsq)


def _gather_codes(cb128, idx_flat):
    info = plsc.get_sparse_core_info()
    nc, ns = info.num_cores, info.num_subcores
    nw = nc * ns
    bn = idx_flat.shape[0]
    bpw = bn // nw
    ch = 128
    nch = bpw // ch
    idx2 = idx_flat.reshape(nw, bpw)
    mesh = plsc.VectorSubcoreMesh(core_axis_name="c", subcore_axis_name="s")

    @functools.partial(
        pl.kernel, mesh=mesh,
        out_type=jax.ShapeDtypeStruct((bn, 128), jnp.float32),
        scratch_types=[
            pltpu.VMEM((bpw,), jnp.int32),
            pltpu.VMEM((bpw, 128), jnp.float32),
            pltpu.SemaphoreType.DMA,
        ],
    )
    def gather(cb_hbm, idx_hbm, out_hbm, idx_v, rows_v, sem):
        wid = lax.axis_index("s") * nc + lax.axis_index("c")
        pltpu.sync_copy(idx_hbm.at[wid], idx_v)
        copies = [
            pltpu.async_copy(cb_hbm.at[idx_v.at[pl.ds(j * ch, ch)]],
                             rows_v.at[pl.ds(j * ch, ch)], sem)
            for j in range(nch)
        ]
        for c in copies:
            c.wait()
        pltpu.sync_copy(rows_v, out_hbm.at[pl.ds(wid * bpw, bpw)])

    return gather(cb128, idx2)


def kernel(z_e_x, codebook):
    b, n, c = z_e_x.shape
    flat = z_e_x.reshape(b * n, c)
    insq = jnp.sum(z_e_x * z_e_x, axis=2).reshape(-1)
    cbsq = jnp.sum(codebook * codebook, axis=1)
    cbt = codebook.T
    idx_flat = _vq_argmin(flat, cbt, insq, cbsq)
    cb128 = jnp.pad(codebook, ((0, 0), (0, 128 - c)))
    codes = _gather_codes(cb128, idx_flat)[:, :c].reshape(b, n, c)
    return (codes, codes, idx_flat.reshape(b, n))

# --- scband reference (transcript-rebuilt; emitter-appended) ---
"""Pipeline reference for scband-vqvae-42700564857164 (READ-ONLY COPY).

The authoritative reference and input builder live on the scoring server;
editing this copy changes nothing except your own understanding.
"""

import jax, jax.numpy as jnp
import numpy as np

K_CODES = 8192
D_CODE = 32


def setup_inputs(seed: int = 0) -> dict:
    key = jax.random.key(seed)
    k1, k2 = jax.random.split(key)
    z_e_x = jax.random.normal(k1, (16, 1024, 32), dtype=jnp.float32)
    # codebook init: uniform(-1/K, 1/K), matching VQEmbedding.__init__
    codebook = jax.random.uniform(k2, (K_CODES, D_CODE), dtype=jnp.float32,
                                  minval=-1.0 / K_CODES, maxval=1.0 / K_CODES)
    return {"z_e_x": z_e_x, "codebook": codebook}


def _vq_indices(z, codebook):
    # Faithful port of VectorQuantization.forward, including the torch.addmm
    # formulation: l2 = (||c||^2 + ||x||^2) + 2.0 * x @ c^T  (alpha=2.0, beta=1.0)
    B, N, C = z.shape
    flat = z.reshape(B * N, C)
    cb_sq = jnp.sum(codebook * codebook, axis=1)
    in_sq = jnp.sum(flat * flat, axis=1, keepdims=True)
    l2_dis = (cb_sq[None, :] + in_sq) + 2.0 * (flat @ codebook.T)
    idx_flat = jnp.argmin(l2_dis, axis=1)
    return idx_flat.reshape(B, N)


def reference(z_e_x, codebook):
    # Faithful port of VQEmbedding.straight_through_forward (plus the discrete
    # indices that VQEmbedding.forward returns).
    B, N, C = z_e_x.shape
    cb_detached = jax.lax.stop_gradient(codebook)
    idx = _vq_indices(z_e_x, cb_detached)
    flat_idx = idx.reshape(-1)
    # VQ_ST uses a detached codebook for the gathered codes
    codes = jnp.take(cb_detached, flat_idx, axis=0).reshape(B, N, C)
    # straight-through estimator: identity gradient to z_e_x
    z_q_x = z_e_x + jax.lax.stop_gradient(codes - z_e_x)
    # zqx_tilde: direct index_select from the (non-detached) codebook
    zqx_tilde = jnp.take(codebook, flat_idx, axis=0).reshape(B, N, C)
    return (z_q_x, zqx_tilde, idx)

if __name__ == "__main__":
    import jax
    _d = setup_inputs()
    print(jax.jit(kernel)(*tuple(_d.values())))

</pallas_src>

<mosaic_0001>
#map = affine_map<(d0, d1) -> (0, 0)>
module attributes {stable_mosaic.version = 14 : i64} {
  func.func @gather(%arg0: i32, %arg1: i32, %arg2: memref<8192x128xf32, #tpu.memory_space<hbm>>, %arg3: memref<32x512xi32, #tpu.memory_space<hbm>>, %arg4: memref<16384x128xf32, #tpu.memory_space<hbm>>, %arg5: memref<512xi32, #tpu.memory_space<vmem>>, %arg6: memref<512x128xf32, #tpu.memory_space<vmem>>, %arg7: memref<!tpu.dma_semaphore, #tpu.memory_space<semaphore_mem>>) attributes {dimension_semantics = [#tpu.dimension_semantics<core_parallel>, #tpu.dimension_semantics<subcore_parallel>], iteration_bounds = array<i64: 2, 16>, scalar_prefetch = 0 : i64, scratch_operands = 3 : i64, tpu.core_type = #tpu.core_type<sc_vector_subcore>, window_params = [{transform_indices = #map}, {transform_indices = #map}, {transform_indices = #map}]} {
    %mul3A = arith.constant 2 : i32
    %mul3A_0 = arith.muli %arg1, %mul3A : i32
    %add3A = arith.addi %mul3A_0, %arg0 : i32
    "tpu.region"() ({
      %run_scoped3A = tpu.sem_alloc : memref<!tpu.dma_semaphore, #tpu.memory_space<semaphore_mem>>
      %dma_start3A_65 = arith.constant 0 : i32
      %dma_start3A_66 = tpu.memref_slice %arg3[%add3A, %dma_start3A_65] : memref<32x512xi32, #tpu.memory_space<hbm>> -> memref<1x512xi32, #tpu.memory_space<hbm>>
      %dma_start3A_67 = tpu.memref_squeeze %dma_start3A_66 : memref<1x512xi32, #tpu.memory_space<hbm>> -> memref<512xi32, #tpu.memory_space<hbm>>
      %dma_start3A_68 = arith.constant 0 : i32
      %dma_start3A_69 = tpu.memref_slice %arg3[%add3A, %dma_start3A_68] : memref<32x512xi32, #tpu.memory_space<hbm>> -> memref<1x512xi32, #tpu.memory_space<hbm>>
      %dma_start3A_70 = tpu.memref_squeeze %dma_start3A_69 : memref<1x512xi32, #tpu.memory_space<hbm>> -> memref<512xi32, #tpu.memory_space<hbm>>
      tpu.enqueue_dma source(%dma_start3A_70 : memref<512xi32, #tpu.memory_space<hbm>>) target(%arg5 : memref<512xi32, #tpu.memory_space<vmem>>) target_semaphore(%run_scoped3A : memref<!tpu.dma_semaphore, #tpu.memory_space<semaphore_mem>>)
      %dma_wait3A_71 = arith.constant 0 : i32
      %dma_wait3A_72 = tpu.memref_slice %arg3[%add3A, %dma_wait3A_71] : memref<32x512xi32, #tpu.memory_space<hbm>> -> memref<1x512xi32, #tpu.memory_space<hbm>>
      %dma_wait3A_73 = tpu.memref_squeeze %dma_wait3A_72 : memref<1x512xi32, #tpu.memory_space<hbm>> -> memref<512xi32, #tpu.memory_space<hbm>>
      %dma_wait3A_74 = arith.constant 0 : i32
      %dma_wait3A_75 = tpu.memref_slice %arg3[%add3A, %dma_wait3A_74] : memref<32x512xi32, #tpu.memory_space<hbm>> -> memref<1x512xi32, #tpu.memory_space<hbm>>
      %dma_wait3A_76 = tpu.memref_squeeze %dma_wait3A_75 : memref<1x512xi32, #tpu.memory_space<hbm>> -> memref<512xi32, #tpu.memory_space<hbm>>
      tpu.wait_dma2 semaphore(%run_scoped3A : memref<!tpu.dma_semaphore, #tpu.memory_space<semaphore_mem>>) src(%dma_wait3A_76 : memref<512xi32, #tpu.memory_space<hbm>>) dst(%arg5 : memref<512xi32, #tpu.memory_space<vmem>>)
      tpu.yield
    }) : () -> ()
    %dma_start3A = arith.constant 0 : i32
    %dma_start3A_1 = arith.constant 0 : i32
    %dma_start3A_2 = tpu.memref_slice %arg6[%dma_start3A, %dma_start3A_1] : memref<512x128xf32, #tpu.memory_space<vmem>> -> memref<128x128xf32, #tpu.memory_space<vmem>>
    %dma_start3A_3 = arith.constant 0 : i32
    %dma_start3A_4 = tpu.memref_slice %arg5[%dma_start3A_3] : memref<512xi32, #tpu.memory_space<vmem>> -> memref<128xi32, #tpu.memory_space<vmem>>
    %dma_start3A_5 = arith.constant 0 : i32
    %dma_start3A_6 = arith.constant 0 : i32
    %dma_start3A_7 = tpu.memref_slice %arg2[%dma_start3A_5, %dma_start3A_6] : memref<8192x128xf32, #tpu.memory_space<hbm>> -> memref<8192x128xf32, #tpu.memory_space<hbm>>
    tpu.enqueue_indirect_dma source(%dma_start3A_7 : memref<8192x128xf32, #tpu.memory_space<hbm>>) target(%dma_start3A_2 : memref<128x128xf32, #tpu.memory_space<vmem>>) offsets(%dma_start3A_4 : memref<128xi32, #tpu.memory_space<vmem>>) semaphore(%arg7 : memref<!tpu.dma_semaphore, #tpu.memory_space<semaphore_mem>>)
    %dma_start3A_8 = arith.constant 128 : i32
    %dma_start3A_9 = arith.constant 0 : i32
    %dma_start3A_10 = tpu.memref_slice %arg6[%dma_start3A_8, %dma_start3A_9] : memref<512x128xf32, #tpu.memory_space<vmem>> -> memref<128x128xf32, #tpu.memory_space<vmem>>
    %dma_start3A_11 = arith.constant 128 : i32
    %dma_start3A_12 = tpu.memref_slice %arg5[%dma_start3A_11] : memref<512xi32, #tpu.memory_space<vmem>> -> memref<128xi32, #tpu.memory_space<vmem>>
    %dma_start3A_13 = arith.constant 0 : i32
    %dma_start3A_14 = arith.constant 0 : i32
    %dma_start3A_15 = tpu.memref_slice %arg2[%dma_start3A_13, %dma_start3A_14] : memref<8192x128xf32, #tpu.memory_space<hbm>> -> memref<8192x128xf32, #tpu.memory_space<hbm>>
    tpu.enqueue_indirect_dma source(%dma_start3A_15 : memref<8192x128xf32, #tpu.memory_space<hbm>>) target(%dma_start3A_10 : memref<128x128xf32, #tpu.memory_space<vmem>>) offsets(%dma_start3A_12 : memref<128xi32, #tpu.memory_space<vmem>>) semaphore(%arg7 : memref<!tpu.dma_semaphore, #tpu.memory_space<semaphore_mem>>)
    %dma_start3A_16 = arith.constant 256 : i32
    %dma_start3A_17 = arith.constant 0 : i32
    %dma_start3A_18 = tpu.memref_slice %arg6[%dma_start3A_16, %dma_start3A_17] : memref<512x128xf32, #tpu.memory_space<vmem>> -> memref<128x128xf32, #tpu.memory_space<vmem>>
    %dma_start3A_19 = arith.constant 256 : i32
    %dma_start3A_20 = tpu.memref_slice %arg5[%dma_start3A_19] : memref<512xi32, #tpu.memory_space<vmem>> -> memref<128xi32, #tpu.memory_space<vmem>>
    %dma_start3A_21 = arith.constant 0 : i32
    %dma_start3A_22 = arith.constant 0 : i32
    %dma_start3A_23 = tpu.memref_slice %arg2[%dma_start3A_21, %dma_start3A_22] : memref<8192x128xf32, #tpu.memory_space<hbm>> -> memref<8192x128xf32, #tpu.memory_space<hbm>>
    tpu.enqueue_indirect_dma source(%dma_start3A_23 : memref<8192x128xf32, #tpu.memory_space<hbm>>) target(%dma_start3A_18 : memref<128x128xf32, #tpu.memory_space<vmem>>) offsets(%dma_start3A_20 : memref<128xi32, #tpu.memory_space<vmem>>) semaphore(%arg7 : memref<!tpu.dma_semaphore, #tpu.memory_space<semaphore_mem>>)
    %dma_start3A_24 = arith.constant 384 : i32
    %dma_start3A_25 = arith.constant 0 : i32
    %dma_start3A_26 = tpu.memref_slice %arg6[%dma_start3A_24, %dma_start3A_25] : memref<512x128xf32, #tpu.memory_space<vmem>> -> memref<128x128xf32, #tpu.memory_space<vmem>>
    %dma_start3A_27 = arith.constant 384 : i32
    %dma_start3A_28 = tpu.memref_slice %arg5[%dma_start3A_27] : memref<512xi32, #tpu.memory_space<vmem>> -> memref<128xi32, #tpu.memory_space<vmem>>
    %dma_start3A_29 = arith.constant 0 : i32
    %dma_start3A_30 = arith.constant 0 : i32
    %dma_start3A_31 = tpu.memref_slice %arg2[%dma_start3A_29, %dma_start3A_30] : memref<8192x128xf32, #tpu.memory_space<hbm>> -> memref<8192x128xf32, #tpu.memory_space<hbm>>
    tpu.enqueue_indirect_dma source(%dma_start3A_31 : memref<8192x128xf32, #tpu.memory_space<hbm>>) target(%dma_start3A_26 : memref<128x128xf32, #tpu.memory_space<vmem>>) offsets(%dma_start3A_28 : memref<128xi32, #tpu.memory_space<vmem>>) semaphore(%arg7 : memref<!tpu.dma_semaphore, #tpu.memory_space<semaphore_mem>>)
    %dma_wait3A = arith.constant 0 : i32
    %dma_wait3A_32 = arith.constant 0 : i32
    %dma_wait3A_33 = tpu.memref_slice %arg6[%dma_wait3A, %dma_wait3A_32] : memref<512x128xf32, #tpu.memory_space<vmem>> -> memref<128x128xf32, #tpu.memory_space<vmem>>
    %dma_wait3A_34 = arith.constant 0 : i32
    %dma_wait3A_35 = tpu.memref_slice %arg5[%dma_wait3A_34] : memref<512xi32, #tpu.memory_space<vmem>> -> memref<128xi32, #tpu.memory_space<vmem>>
    %dma_wait3A_36 = arith.constant 0 : i32
    %dma_wait3A_37 = arith.constant 0 : i32
    %dma_wait3A_38 = tpu.memref_slice %arg2[%dma_wait3A_36, %dma_wait3A_37] : memref<8192x128xf32, #tpu.memory_space<hbm>> -> memref<8192x128xf32, #tpu.memory_space<hbm>>
    tpu.wait_indirect_dma semaphore(%arg7 : memref<!tpu.dma_semaphore, #tpu.memory_space<semaphore_mem>>) src(%dma_wait3A_38 : memref<8192x128xf32, #tpu.memory_space<hbm>>) dst(%dma_wait3A_33 : memref<128x128xf32, #tpu.memory_space<vmem>>)
    %dma_wait3A_39 = arith.constant 128 : i32
    %dma_wait3A_40 = arith.constant 0 : i32
    %dma_wait3A_41 = tpu.memref_slice %arg6[%dma_wait3A_39, %dma_wait3A_40] : memref<512x128xf32, #tpu.memory_space<vmem>> -> memref<128x128xf32, #tpu.memory_space<vmem>>
    %dma_wait3A_42 = arith.constant 128 : i32
    %dma_wait3A_43 = tpu.memref_slice %arg5[%dma_wait3A_42] : memref<512xi32, #tpu.memory_space<vmem>> -> memref<128xi32, #tpu.memory_space<vmem>>
    %dma_wait3A_44 = arith.constant 0 : i32
    %dma_wait3A_45 = arith.constant 0 : i32
    %dma_wait3A_46 = tpu.memref_slice %arg2[%dma_wait3A_44, %dma_wait3A_45] : memref<8192x128xf32, #tpu.memory_space<hbm>> -> memref<8192x128xf32, #tpu.memory_space<hbm>>
    tpu.wait_indirect_dma semaphore(%arg7 : memref<!tpu.dma_semaphore, #tpu.memory_space<semaphore_mem>>) src(%dma_wait3A_46 : memref<8192x128xf32, #tpu.memory_space<hbm>>) dst(%dma_wait3A_41 : memref<128x128xf32, #tpu.memory_space<vmem>>)
    %dma_wait3A_47 = arith.constant 256 : i32
    %dma_wait3A_48 = arith.constant 0 : i32
    %dma_wait3A_49 = tpu.memref_slice %arg6[%dma_wait3A_47, %dma_wait3A_48] : memref<512x128xf32, #tpu.memory_space<vmem>> -> memref<128x128xf32, #tpu.memory_space<vmem>>
    %dma_wait3A_50 = arith.constant 256 : i32
    %dma_wait3A_51 = tpu.memref_slice %arg5[%dma_wait3A_50] : memref<512xi32, #tpu.memory_space<vmem>> -> memref<128xi32, #tpu.memory_space<vmem>>
    %dma_wait3A_52 = arith.constant 0 : i32
    %dma_wait3A_53 = arith.constant 0 : i32
    %dma_wait3A_54 = tpu.memref_slice %arg2[%dma_wait3A_52, %dma_wait3A_53] : memref<8192x128xf32, #tpu.memory_space<hbm>> -> memref<8192x128xf32, #tpu.memory_space<hbm>>
    tpu.wait_indirect_dma semaphore(%arg7 : memref<!tpu.dma_semaphore, #tpu.memory_space<semaphore_mem>>) src(%dma_wait3A_54 : memref<8192x128xf32, #tpu.memory_space<hbm>>) dst(%dma_wait3A_49 : memref<128x128xf32, #tpu.memory_space<vmem>>)
    %dma_wait3A_55 = arith.constant 384 : i32
    %dma_wait3A_56 = arith.constant 0 : i32
    %dma_wait3A_57 = tpu.memref_slice %arg6[%dma_wait3A_55, %dma_wait3A_56] : memref<512x128xf32, #tpu.memory_space<vmem>> -> memref<128x128xf32, #tpu.memory_space<vmem>>
    %dma_wait3A_58 = arith.constant 384 : i32
    %dma_wait3A_59 = tpu.memref_slice %arg5[%dma_wait3A_58] : memref<512xi32, #tpu.memory_space<vmem>> -> memref<128xi32, #tpu.memory_space<vmem>>
    %dma_wait3A_60 = arith.constant 0 : i32
    %dma_wait3A_61 = arith.constant 0 : i32
    %dma_wait3A_62 = tpu.memref_slice %arg2[%dma_wait3A_60, %dma_wait3A_61] : memref<8192x128xf32, #tpu.memory_space<hbm>> -> memref<8192x128xf32, #tpu.memory_space<hbm>>
    tpu.wait_indirect_dma semaphore(%arg7 : memref<!tpu.dma_semaphore, #tpu.memory_space<semaphore_mem>>) src(%dma_wait3A_62 : memref<8192x128xf32, #tpu.memory_space<hbm>>) dst(%dma_wait3A_57 : memref<128x128xf32, #tpu.memory_space<vmem>>)
    %mul3A_63 = arith.constant 512 : i32
    %mul3A_64 = arith.muli %add3A, %mul3A_63 : i32
    "tpu.region"() ({
      %run_scoped3A = tpu.sem_alloc : memref<!tpu.dma_semaphore, #tpu.memory_space<semaphore_mem>>
      %dma_start3A_65 = arith.constant 0 : i32
      %dma_start3A_66 = tpu.memref_slice %arg4[%mul3A_64, %dma_start3A_65] : memref<16384x128xf32, #tpu.memory_space<hbm>> -> memref<512x128xf32, #tpu.memory_space<hbm>>
      %dma_start3A_67 = arith.constant 0 : i32
      %dma_start3A_68 = tpu.memref_slice %arg4[%mul3A_64, %dma_start3A_67] : memref<16384x128xf32, #tpu.memory_space<hbm>> -> memref<512x128xf32, #tpu.memory_space<hbm>>
      tpu.enqueue_dma source(%arg6 : memref<512x128xf32, #tpu.memory_space<vmem>>) target(%dma_start3A_68 : memref<512x128xf32, #tpu.memory_space<hbm>>) target_semaphore(%run_scoped3A : memref<!tpu.dma_semaphore, #tpu.memory_space<semaphore_mem>>)
      %dma_wait3A_69 = arith.constant 0 : i32
      %dma_wait3A_70 = tpu.memref_slice %arg4[%mul3A_64, %dma_wait3A_69] : memref<16384x128xf32, #tpu.memory_space<hbm>> -> memref<512x128xf32, #tpu.memory_space<hbm>>
      %dma_wait3A_71 = arith.constant 0 : i32
      %dma_wait3A_72 = tpu.memref_slice %arg4[%mul3A_64, %dma_wait3A_71] : memref<16384x128xf32, #tpu.memory_space<hbm>> -> memref<512x128xf32, #tpu.memory_space<hbm>>
      tpu.wait_dma2 semaphore(%run_scoped3A : memref<!tpu.dma_semaphore, #tpu.memory_space<semaphore_mem>>) src(%arg6 : memref<512x128xf32, #tpu.memory_space<vmem>>) dst(%dma_wait3A_72 : memref<512x128xf32, #tpu.memory_space<hbm>>)
      tpu.yield
    }) : () -> ()
    return
  }
}

module attributes {stable_mosaic.version = 14 : i64} {
  func.func @_argmin_body(%arg0: i32, %arg1: memref<256x32xf32, #tpu.memory_space<vmem>>, %arg2: memref<32x8192xf32, #tpu.memory_space<vmem>>, %arg3: memref<256xf32, #tpu.memory_space<vmem>>, %arg4: memref<8192xf32, #tpu.memory_space<vmem>>, %arg5: memref<256xi32, #tpu.memory_space<vmem>>) attributes {dimension_semantics = [#tpu.dimension_semantics<arbitrary>], iteration_bounds = array<i64: 64>, scalar_prefetch = 0 : i64, scratch_operands = 0 : i64, tpu.core_type = #tpu.core_type<tc>, window_params = [{transform_indices = @transform_0, window_bounds = array<i64: 256, 32>}, {pipeline_mode = #tpu.pipeline_mode<synchronous>, transform_indices = @transform_1, window_bounds = array<i64: 32, 8192>}, {transform_indices = @transform_2, window_bounds = array<i64: 256>}, {pipeline_mode = #tpu.pipeline_mode<synchronous>, transform_indices = @transform_3, window_bounds = array<i64: 8192>}, {transform_indices = @transform_4, window_bounds = array<i64: 256>}]} {
    %get3A = arith.constant 0 : index
    %get3A_0 = arith.constant 0 : index
    %get3A_1 = vector.load %arg1[%get3A, %get3A_0] : memref<256x32xf32, #tpu.memory_space<vmem>>, vector<256x32xf32>
    %get3A_2 = arith.constant 0 : index
    %get3A_3 = arith.constant 0 : index
    %get3A_4 = vector.load %arg2[%get3A_2, %get3A_3] : memref<32x8192xf32, #tpu.memory_space<vmem>>, vector<32x8192xf32>
    %convert_element_type3A = arith.truncf %get3A_1 : vector<256x32xf32> to vector<256x32xbf16>
    %convert_element_type3A_5 = arith.truncf %get3A_4 : vector<32x8192xf32> to vector<32x8192xbf16>
    %dot_general3A = arith.constant dense<0.000000e+00> : vector<256x8192xf32>
    %dot_general3A_6 = tpu.matmul %convert_element_type3A, %convert_element_type3A_5, %dot_general3A {dimension_numbers = #tpu.dot_dimension_numbers<[1], [0], [0], [1], [0, 0, 1, 1], [], []>, transpose_lhs_hint = false} : vector<256x32xbf16>, vector<32x8192xbf16>, vector<256x8192xf32> -> vector<256x8192xf32>
    %get3A_7 = arith.constant 0 : index
    %get3A_8 = vector.load %arg3[%get3A_7] : memref<256xf32, #tpu.memory_space<vmem>>, vector<256xf32>
    %get3A_9 = arith.constant 0 : index
    %get3A_10 = vector.load %arg4[%get3A_9] : memref<8192xf32, #tpu.memory_space<vmem>>, vector<8192xf32>
    %broadcast_in_dim3A = vector.shape_cast %get3A_10 : vector<8192xf32> to vector<1x8192xf32>
    %broadcast_in_dim3A_11 = vector.shape_cast %get3A_8 : vector<256xf32> to vector<256x1xf32>
    %add3A = vector.broadcast %broadcast_in_dim3A : vector<1x8192xf32> to vector<256x8192xf32>
    %add3A_12 = vector.broadcast %broadcast_in_dim3A_11 : vector<256x1xf32> to vector<256x8192xf32>
    %add3A_13 = arith.addf %add3A, %add3A_12 : vector<256x8192xf32>
    %mul3A = arith.constant 2.000000e+00 : f32
    %mul3A_14 = vector.broadcast %mul3A : f32 to vector<256x8192xf32>
    %mul3A_15 = arith.mulf %mul3A_14, %dot_general3A_6 : vector<256x8192xf32>
    %add3A_16 = arith.addf %add3A_13, %mul3A_15 : vector<256x8192xf32>
    %slice3A = vector.extract_strided_slice %add3A_16 {offsets = [0, 0], sizes = [256, 4096], strides = [1, 1]} : vector<256x8192xf32> to vector<256x4096xf32>
    %reduce_min3A = arith.constant dense<0x7F800000> : vector<256xf32>
    %reduce_min3A_17 = vector.multi_reduction <minimumf>, %slice3A, %reduce_min3A [1] : vector<256x4096xf32> to vector<256xf32>
    %iota3A = tpu.iota {dimensions = array<i32: 1>} : vector<256x4096xi32>
    %broadcast_in_dim3A_18 = vector.shape_cast %reduce_min3A_17 : vector<256xf32> to vector<256x1xf32>
    %eq3A = vector.broadcast %broadcast_in_dim3A_18 : vector<256x1xf32> to vector<256x4096xf32>
    %eq3A_19 = arith.cmpf oeq, %slice3A, %eq3A : vector<256x4096xf32>
    %jit3A = arith.constant 8192 : i32
    %broadcast_in_dim3A_20 = vector.broadcast %jit3A : i32 to vector<256x4096xi32>
    %select_n3A = arith.select %eq3A_19, %iota3A, %broadcast_in_dim3A_20 : vector<256x4096xi1>, vector<256x4096xi32>
    %reduce_min3A_21 = arith.constant dense<2147483647> : vector<256xi32>
    %reduce_min3A_22 = vector.multi_reduction <minsi>, %select_n3A, %reduce_min3A_21 [1] : vector<256x4096xi32> to vector<256xi32>
    %add3A_23 = arith.constant 0 : i32
    %add3A_24 = vector.broadcast %add3A_23 : i32 to vector<256xi32>
    %add3A_25 = arith.addi %reduce_min3A_22, %add3A_24 : vector<256xi32>
    %slice3A_26 = vector.extract_strided_slice %add3A_16 {offsets = [0, 4096], sizes = [256, 4096], strides = [1, 1]} : vector<256x8192xf32> to vector<256x4096xf32>
    %reduce_min3A_27 = arith.constant dense<0x7F800000> : vector<256xf32>
    %reduce_min3A_28 = vector.multi_reduction <minimumf>, %slice3A_26, %reduce_min3A_27 [1] : vector<256x4096xf32> to vector<256xf32>
    %iota3A_29 = tpu.iota {dimensions = array<i32: 1>} : vector<256x4096xi32>
    %broadcast_in_dim3A_30 = vector.shape_cast %reduce_min3A_28 : vector<256xf32> to vector<256x1xf32>
    %eq3A_31 = vector.broadcast %broadcast_in_dim3A_30 : vector<256x1xf32> to vector<256x4096xf32>
    %eq3A_32 = arith.cmpf oeq, %slice3A_26, %eq3A_31 : vector<256x4096xf32>
    %jit3A_33 = arith.constant 8192 : i32
    %broadcast_in_dim3A_34 = vector.broadcast %jit3A_33 : i32 to vector<256x4096xi32>
    %select_n3A_35 = arith.select %eq3A_32, %iota3A_29, %broadcast_in_dim3A_34 : vector<256x4096xi1>, vector<256x4096xi32>
    %reduce_min3A_36 = arith.constant dense<2147483647> : vector<256xi32>
    %reduce_min3A_37 = vector.multi_reduction <minsi>, %select_n3A_35, %reduce_min3A_36 [1] : vector<256x4096xi32> to vector<256xi32>
    %add3A_38 = arith.constant 4096 : i32
    %add3A_39 = vector.broadcast %add3A_38 : i32 to vector<256xi32>
    %add3A_40 = arith.addi %reduce_min3A_37, %add3A_39 : vector<256xi32>
    %bitcast_convert_type3A = tpu.bitcast %reduce_min3A_17 : vector<256xf32> -> vector<256xi32>
    %shift_right_arithmetic3A = arith.constant 16 : i32
    %shift_right_arithmetic3A_41 = vector.broadcast %shift_right_arithmetic3A : i32 to vector<256xi32>
    %shift_right_arithmetic3A_42 = arith.shrsi %bitcast_convert_type3A, %shift_right_arithmetic3A_41 : vector<256xi32>
    %and3A = arith.constant 1 : i32
    %and3A_43 = vector.broadcast %and3A : i32 to vector<256xi32>
    %and3A_44 = arith.andi %shift_right_arithmetic3A_42, %and3A_43 : vector<256xi32>
    %add3A_45 = arith.constant 32767 : i32
    %add3A_46 = vector.broadcast %add3A_45 : i32 to vector<256xi32>
    %add3A_47 = arith.addi %and3A_44, %add3A_46 : vector<256xi32>
    %add3A_48 = arith.addi %bitcast_convert_type3A, %add3A_47 : vector<256xi32>
    %not3A = arith.constant 65535 : i32
    %not3A_49 = arith.constant -1 : i32
    %not3A_50 = arith.xori %not3A, %not3A_49 : i32
    %and3A_51 = vector.broadcast %not3A_50 : i32 to vector<256xi32>
    %and3A_52 = arith.andi %add3A_48, %and3A_51 : vector<256xi32>
    %bitcast_convert_type3A_53 = tpu.bitcast %and3A_52 : vector<256xi32> -> vector<256xf32>
    %le3A = arith.cmpf ole, %bitcast_convert_type3A_53, %reduce_min3A_28 : vector<256xf32>
    %select_n3A_54 = arith.select %le3A, %add3A_25, %add3A_40 : vector<256xi1>, vector<256xi32>
    %swap3A = arith.constant 0 : index
    %swap3A_55 = vector.load %arg5[%swap3A] : memref<256xi32, #tpu.memory_space<vmem>>, vector<256xi32>
    tpu.vector_store %arg5[%swap3A], %select_n3A_54 {strides = array<i32>} : memref<256xi32, #tpu.memory_space<vmem>>, vector<256xi32>,
    return
  }
  func.func @transform_0(%arg0: i32) -> (i32, i32) {
    %c0_i32 = arith.constant 0 : i32
    %c0_i32_0 = arith.constant 0 : i32
    return %arg0, %c0_i32 : i32, i32
  }
  func.func @transform_1(%arg0: i32) -> (i32, i32) {
    %c0_i32 = arith.constant 0 : i32
    %c0_i32_0 = arith.constant 0 : i32
    %c0_i32_1 = arith.constant 0 : i32
    return %c0_i32, %c0_i32_0 : i32, i32
  }
  func.func @transform_2(%arg0: i32) -> i32 {
    %c0_i32 = arith.constant 0 : i32
    return %arg0 : i32
  }
  func.func @transform_3(%arg0: i32) -> i32 {
    %c0_i32 = arith.constant 0 : i32
    %c0_i32_0 = arith.constant 0 : i32
    return %c0_i32 : i32
  }
  func.func @transform_4(%arg0: i32) -> i32 {
    %c0_i32 = arith.constant 0 : i32
    return %arg0 : i32
  }
}

</mosaic_0001>

<sc_bundles>
// kernel: kernel.4.cloned.1.call-start
scs
__scs_entry_jumppad:
0x0: {  	(pc) =	sbr.rel $0x88, $3  }
0x1: {  	(tag) =	ssettag $0x0;
	lr =	simm.s32 $0x1  }
0x2: {  	[smem:$0x3F9F] =	sst lr;
	_ =	strace $0xD0000000  }
0x3: {  	_ = 	snop  }
0x4: {  	_ = 	snop  }
0x5: {  	_ = 	snop  }
0x6: {  	_ = 	snop  }
0x7: {  	_ = 	snop  }
__scs_overlays_trampoline_lowered:
0x8: {  	[smem:$0x3FAE] =	sst s0  }
0x9: {  	[smem:$0x3FAF] =	sst s1  }
0xa: {  	[smem:$0x3FB0] =	sst s2  }
0xb: {  	[smem:$0x3FB1] =	sst s3  }
0xc: {  	[smem:$0x3FB2] =	sst s4  }
0xd: {  	[smem:$0x3FB3] =	sst s5  }
0xe: {  	[smem:$0x3FB4] =	sst s6  }
0xf: {  	[smem:$0x3FB5] =	sst s7  }
0x10: {  	[smem:$0x3FB6] =	sst s8  }
0x11: {  	[smem:$0x3FB7] =	sst s9;
	s0 =	simm.s32 @!p0 $0x0  }
0x12: {  	s1 =	sld [smem:$0x3F9D];
	s0 =	simm.s32 @p0 $0x1  }
0x13: {  	[smem:$0x3FB8] =	sst s0;
	s0 =	simm.s32 @!p1 $0x0  }
0x14: {  	s2 =	sld [smem:$0x3F9C];
	s0 =	simm.s32 @p1 $0x1  }
0x15: {  	[smem:$0x3FB9] =	sst s0;
	s0 =	simm.s32 @!p2 $0x0  }
0x16: {  	s3 =	sld [smem:$0x3FDB];
	s0 =	simm.s32 @p2 $0x1  }
0x17: {  	s4 =	simm.s32 $0x1BF5;
	[smem:$0x3FBB] =	sst s0  }
0x18: {  	s0 =	sld [smem:$0x3F9E];
	_ =	swait.ge [sflag:s4], $0x0  }
0x19: {  	s7 =	sld [smem:$0x3F9F]  }
0x1a: {  	s8 =	sadd.s32 $0xFFFFE003, lr  }
0x1b: {  	s9 =	sadd.s32 $0xFFFFFEF7, lr;
	s5 =	simm.s32 $0xFFFFFFFF;
	p2 =	slt.u32 s8, $0xFFFFF086  }
0x1c: {  	p1 =	slt.u32 s9, $0xF7A;
	s5 =	simm.s32 @!p2 $0x0  }
0x1d: {  	s5 =	simm.s32 @p1 $0x1;
	p0 =	seq.s32 s7, s2  }
0x1e: {  	s7 =	smul.u32 @!p0 $0xF7A, s2;
	p2 =	seq.s32 @!p0 s5, $0x0  }
0x1f: {  	s9 =	smul.u32 $0xF7A, s1;
	s8 =	simm.s32 @!p0 $0x1BF5;
	p2 =	por !p2, p0  }
0x20: {  	[sflag:s8] =	ssyncset.s32 @!p0 $0xFFFFF086;
	s6 =	sadd.s32 @!p0 s3, s7;
	s7 =	simm.s32 @!p0 $0x108  }
0x21: {  	s3 =	sadd.s32 s3, s9;
	s6 =	sadd.s32 @!p0 $0x88, s6;
	s7 =	simm.s32 @p2 $0x1082  }
0x22: {  	[simem:s7], [sflag:s8] =	dma.local @!p0 [hbm:s6], $0xF7A  }
0x23: {  	s9 =	sor.u32 $0xD0000000, s2;
	s6 =	simm.s32 $0x108;
	_ =	swait.ge @!p0 [sflag:s8], $0x0  }
0x24: {  	s3 =	sadd.s32 $0x88, s3;
	s6 =	simm.s32 @!p1 $0x1082;
	[sflag:s4] =	ssyncset.s32 $0xFFFFF086  }
0x25: {  	[simem:s6], [sflag:s4] =	dma.local [hbm:s3], $0xF7A  }
0x26: {  	[smem:$0x3F9F] =	sst s1;
	(tag) =	ssettag s2;
	_ =	strace s9  }
0x27: {  	s1 =	sld [smem:$0x3FAF]  }
0x28: {  	s2 =	sld [smem:$0x3FB0]  }
0x29: {  	s4 =	sld [smem:$0x3FB2]  }
0x2a: {  	p0 =	seq.s32 s5, $0x0;
	s5 =	sld [smem:$0x3FB3]  }
0x2b: {  	s6 =	sld [smem:$0x3FB4]  }
0x2c: {  	s7 =	sld [smem:$0x3FB5]  }
0x2d: {  	s3 =	simm.s32 $0x108;
	s8 =	sld [smem:$0x3FB6]  }
0x2e: {  	s3 =	simm.s32 @!p0 $0x1082;
	s9 =	sld [smem:$0x3FB7]  }
0x2f: {  	lr =	sadd.s32 s0, s3;
	s0 =	sld [smem:$0x3FAE]  }
0x30: {  	s3 =	sld [smem:$0x3FB1]  }
0x31: {  	[smem:$0x3FBA] =	sst s10  }
0x32: {  	s10 =	sld [smem:$0x3FB8];
	_ =	sdelay $0x3  }
0x33: {  	p0 =	seq.s32 s10, $0x1;
	s10 =	sld [smem:$0x3FBA];
	_ =	sdelay $0x3  }
0x34: {  	[smem:$0x3FBA] =	sst s10  }
0x35: {  	s10 =	sld [smem:$0x3FB9];
	_ =	sdelay $0x3  }
0x36: {  	p1 =	seq.s32 s10, $0x1;
	s10 =	sld [smem:$0x3FBA];
	_ =	sdelay $0x3  }
0x37: {  	[smem:$0x3FBA] =	sst s10  }
0x38: {  	s10 =	sld [smem:$0x3FBB]  }
0x39: {  	_ = 	snop;
	(pc) =	sbr.ind lr, $3  }
0x3a: {  	_ = 	snop  }
0x3b: {  	_ = 	snop  }
0x3c: {  	p2 =	seq.s32 s10, $0x1;
	s10 =	sld [smem:$0x3FBA]  }
0x3d: {  	_ =	shalt  }
0x3e: {  	_ =	shalt  }
0x3f: {  	_ =	shalt  }
0x40: {  	_ =	shalt  }
0x41: {  	_ =	shalt  }
0x42: {  	_ =	shalt  }
0x43: {  	_ =	shalt  }
0x44: {  	_ =	shalt  }
0x45: {  	_ =	shalt  }
0x46: {  	_ =	shalt  }
0x47: {  	_ =	shalt  }
0x48: {  	_ =	shalt  }
0x49: {  	_ =	shalt  }
0x4a: {  	_ =	shalt  }
0x4b: {  	_ =	shalt  }
0x4c: {  	_ =	shalt  }
0x4d: {  	_ =	shalt  }
0x4e: {  	_ =	shalt  }
0x4f: {  	_ =	shalt  }
0x50: {  	_ =	shalt  }
0x51: {  	_ =	shalt  }
0x52: {  	_ =	shalt  }
0x53: {  	_ =	shalt  }
0x54: {  	_ =	shalt  }
0x55: {  	_ =	shalt  }
0x56: {  	_ =	shalt  }
0x57: {  	_ =	shalt  }
0x58: {  	_ =	shalt  }
0x59: {  	_ =	shalt  }
0x5a: {  	_ =	shalt  }
0x5b: {  	_ =	shalt  }
0x5c: {  	_ =	shalt  }
0x5d: {  	_ =	shalt  }
0x5e: {  	_ =	shalt  }
0x5f: {  	_ =	shalt  }
0x60: {  	_ =	shalt  }
0x61: {  	_ =	shalt  }
0x62: {  	_ =	shalt  }
0x63: {  	_ =	shalt  }
0x64: {  	_ =	shalt  }
0x65: {  	_ =	shalt  }
0x66: {  	_ =	shalt  }
0x67: {  	_ =	shalt  }
0x68: {  	_ =	shalt  }
0x69: {  	_ =	shalt  }
0x6a: {  	_ =	shalt  }
0x6b: {  	_ =	shalt  }
0x6c: {  	_ =	shalt  }
0x6d: {  	_ =	shalt  }
0x6e: {  	_ =	shalt  }
0x6f: {  	_ =	shalt  }
0x70: {  	_ =	shalt  }
0x71: {  	_ =	shalt  }
0x72: {  	_ =	shalt  }
0x73: {  	_ =	shalt  }
0x74: {  	_ =	shalt  }
0x75: {  	_ =	shalt  }
0x76: {  	_ =	shalt  }
0x77: {  	_ =	shalt  }
0x78: {  	_ =	shalt  }
0x79: {  	_ =	shalt  }
0x7a: {  	_ =	shalt  }
0x7b: {  	_ =	shalt  }
0x7c: {  	_ =	shalt  }
0x7d: {  	_ =	shalt  }
0x7e: {  	_ =	shalt  }
0x7f: {  	_ =	shalt  }
0x80: {  	_ =	shalt  }
0x81: {  	_ =	shalt  }
0x82: {  	_ =	shalt  }
0x83: {  	_ =	shalt  }
0x84: {  	_ =	shalt  }
0x85: {  	_ =	shalt  }
0x86: {  	_ =	shalt  }
0x87: {  	_ =	shalt  }
.Lfunc_end0:
.L_simem_size_0:
called_computation_lowered:
.L_overlay_start_0:
0x88: {  	s2 =	sld [smem:$0x3FD9]  }
0x89: {  	s3 =	sld [smem:$0x3FFE];
	_ =	sdelay $0x1  }
0x8a: {  	s1 =	srdreg.scid  }
0x8b: {  	s0 =	sand.u32 $0x1, s1  }
0x8c: {  	s14 =	sshll.u32 s0, $0xA;
	s2 =	sadd.s32 s3, s2  }
0x8d: {  	s2 =	sadd.s32 s2, s14  }
0x8e: {  	[smem:$0x3FC6] =	sst s2  }
0x8f: {  	_ = 	snop  }
0x90: {  	s2 =	sld [smem:$0x3FD0];
	_ =	sdelay $0x2  }
0x91: {  	s15 =	simm.s32 $0xA;
	s4 =	simm.s32 $0x10  }
0x92: {  	[smem:s4], [sflag:s15] =	dma.local [hbm:s2], $0x1  }
0x93: {  	_ =	swait.eq [sflag:s15], $0x1  }
0x94: {  	[sflag:s15] =	ssyncset.done $0x0  }
0x95: {  	[sflag:s15] =	ssyncadd.s32 $0xFFFFFFFF  }
0x96: {  	s16 =	sld [smem:$0x11];
	(tm) =	ssettm $0x1  }
0x97: {  	s17 =	sld [smem:$0x3FFB];
	_ =	sdelay $0x3  }
0x98: {  	_ =	strace s17  }
0x99: {  	s3 =	sld [smem:$0x3FFC];
	_ =	sdelay $0x3  }
0x9a: {  	_ =	strace s3  }
0x9b: {  	s3 =	sld [smem:$0x3FFD];
	_ =	sdelay $0x3  }
0x9c: {  	_ =	strace s3  }
0x9d: {  	_ =	strace $0x8FFFFFFF  }
0x9e: {  	s18 =	sld [smem:$0x3FDB];
	_ =	sdelay $0x1  }
0x9f: {  	s19 =	simm.s32 $_scs_section_size  }
0xa0: {  	s5 =	simm.s32 $_size__tile_overlayer_lowered;
	s6 =	simm.s32 $_tile_overlayer_lowered  }
0xa1: {  	s22 =	simm.s32 $0x1BFF;
	s21 =	sshll.u32 s6, $0x1;
	s3 =	sadd.s32 s19, s18  }
0xa2: {  	s7 =	simm.s32 $0x0;
	s20 =	sshll.u32 s5, $0x1;
	s5 =	sadd.s32 s21, s3  }
0xa3: {  	[timem:s7], [sflag:s22] =	dma.local [hbm:s5], s20  }
0xa4: {  	_ =	swait.ge [sflag:s22], s20  }
0xa5: {  	s4 =	ssub.s32 $0x0, s20;
	[sflag:s22] =	ssyncset.done $0x0  }
0xa6: {  	[sflag:s22] =	ssyncadd.s32 s4;
	_ =	sdelay $0x1  }
0xa7: {  	s23 =	simm.s32 $0x1B8B  }
0xa8: {  	_ =	swait.ge [sflag:s23], $0x1  }
0xa9: {  	[sflag:s23] =	ssyncset.done $0x0  }
0xaa: {  	s25 =	simm.s32 $0x1B8E;
	s24 =	sld [smem:$0x3FFE];
	[sflag:s23] =	ssyncadd.s32 $0xFFFFFFFF  }
0xab: {  	s26 =	simm.s32 $execute0_lowered;
	[smem:$0x3FD2] =	sst s25  }
0xac: {  	s5 =	sshll.u32 s26, $0x1;
	_ =	strace $0x80000046;
	[dreg:$0x1] =	wrdreg $0xFFFFFFFF  }
0xad: {  	s28 =	simm.s32 $_size_execute0_lowered;
	s3 =	sadd.s32 s3, s5;
	[dreg:$0x0] =	wrdreg $0x0  }
0xae: {  	s5 =	sshll.u32 s28, $0x1;
	[dreg:$0x2] =	wrdreg s3  }
0xaf: {  	[dreg:$0x3] =	wrdreg s5  }
0xb0: {  	[dreg:$0x4] =	wrdreg $0xC0  }
0xb1: {  	_ =	task [dreg:s7], $0x5FFFF  }
0xb2: {  	[dreg:$0x1] =	wrdreg $0xFFFFFFFF  }
0xb3: {  	[dreg:$0x0] =	wrdreg $0x60  }
0xb4: {  	[dreg:$0x2] =	wrdreg s24  }
0xb5: {  	[dreg:$0x3] =	wrdreg s16  }
0xb6: {  	[dreg:$0x4] =	wrdreg $0x9  }
0xb7: {  	_ =	task.clear_ibuf [dreg:s7], $0x5FFFF;
	_ =	strace $0x90000046  }
0xb8: {  	s29 =	simm.s32 $0x9;
	_ =	strace $0x80000048  }
0xb9: {  	_ =	swait.ge [sflag:s29], $0x1  }
0xba: {  	[sflag:s29] =	ssyncadd.s32 $0xFFFFFFFF  }
0xbb: {  	_ =	strace $0x90000048  }
0xbc: {  	_ =	sfence  }
0xbd: {  	s30 =	sld [smem:$0x0];
	_ =	sdelay $0x2  }
0xbe: {  	s31 =	sshll.u32 s1, $0xD;
	s1 =	sshrl.u32 s1, $0x2  }
0xbf: {  	s3 =	sand.u32 $0x4000, s31;
	s1 =	sadd.s32 s1, s30  }
0xc0: {  	s0 =	sor.u32 s3, s0;
	s1 =	sshll.u32 s1, $0x11  }
0xc1: {  	s0 =	sor.u32 s1, s0  }
0xc2: {  	s0 =	sadd.s32 $0x8F2B, s0  }
0xc3: {  	[sflag:s0] =	ssyncadd.remote.s32 $0x1  }
0xc4: {  	_ =	sfence.sel $0xFFFF  }
0xc5: {  	[dreg:$0x0] =	wrdreg $0xFFFFFFFF;
	(pc) =	sbr.abs _section_cstart, $3  }
0xc6: {  	[dreg:$0x1] =	wrdreg $0xFFFFFFFF  }
0xc7: {  	_ =	task.clear_ibuf [dreg:s7], $0x2FFFF;
	_ =	strace $0x9FFFFFFF  }
0xc8: {  	(tm) =	ssettm $0x7FFFFFFF  }
0xc9: {  	_ =	shalt  }
tec
execute0_lowered:
.L_overlay_start_1:
0x0: {  	(tag) =	ssettag $0x1  }
0x1: {  	s2 =	rddreg [dreg:$0x0];
	s1 =	srdreg.scid  }
0x2: {  	s0 =	stileid.u32;
	s4 =	rddreg [dreg:$0x1];
	s7 =	simm.s32 $0x400  }
0x3: {  	s15 =	sand.u32 $0x1, s1;
	s3 =	sshll.u32 s0, $0x1;
	s1 =	rddreg [dreg:$0x2]  }
0x4: {  	s5 =	sshll.u32 s0, $0x7;
	s16 =	sor.u32 s15, s3;
	s3 =	simm.s32 $0x0  }
0x5: {  	s5 =	sand.u32 $0x600, s5;
	s6 =	sshll.u32 s16, $0x4;
	[smem:$0x7FF] =	sst s3  }
0x6: {  	s4 =	sadd.s32 s4, s5;
	s5 =	simm.s32 $0x80;
	s6 =	sand.u32 $0x70, s6  }
0x7: {  	_ =	strace $0x80000047;
	s4 =	sadd.s32 s6, s4;
	s6 =	simm.s32 $0x2  }
0x8: {  	[tilespmem:s3], [sflag:$0x2] =	stream.strided.gather [hbm4b:s4+s5], $0x200, s7, s5, $0x38;
	[tilespmem:$0x10200] =	vst v63  }
0x9: {  	_ =	swait.ge [sflag:s6], $0x200  }
0xa: {  	[sflag:s6] =	ssyncset.done $0x0  }
0xb: {  	s8 =	simm.s32 $0x200;
	[sflag:s6] =	ssyncadd.s32 $0xFFFFFE00  }
0xc: {  	[tilespmem:s8], [sflag:$0x1] =	stream.indirect.gather [hbm4b:s2+s5], $0x80, s3, s5, $0xb8;
	[tilespmem:$0x10200] =	vst v63  }
0xd: {  	s9 =	simm.s32 $0x4200  }
0xe: {  	[tilespmem:s9], [sflag:$0x1] =	stream.indirect.gather [hbm4b:s2+s5], $0x80, s5, s5, $0xb8;
	[tilespmem:$0x10200] =	vst v63  }
0xf: {  	s10 =	simm.s32 $0x100;
	s11 =	simm.s32 $0x8200  }
0x10: {  	[tilespmem:s11], [sflag:$0x1] =	stream.indirect.gather [hbm4b:s2+s5], $0x80, s10, s5, $0xb8;
	[tilespmem:$0x10200] =	vst v63  }
0x11: {  	s12 =	simm.s32 $0x180;
	s13 =	simm.s32 $0xC200;
	s14 =	simm.s32 $0x1  }
0x12: {  	[tilespmem:s13], [sflag:$0x1] =	stream.indirect.gather [hbm4b:s2+s5], $0x80, s12, s5, $0xb8;
	[tilespmem:$0x10200] =	vst v63  }
0x13: {  	_ =	swait.ge [sflag:s14], $0x4000  }
0x14: {  	[sflag:s14] =	ssyncset.done $0x0  }
0x15: {  	[sflag:s14] =	ssyncadd.s32 $0xFFFFC000  }
0x16: {  	_ =	swait.ge [sflag:s14], $0x4000  }
0x17: {  	[sflag:s14] =	ssyncset.done $0x0  }
0x18: {  	s15 =	ssub.s32 $0x2, s15;
	[sflag:s14] =	ssyncadd.s32 $0xFFFFC000  }
0x19: {  	s17 =	sshrl.u32 s15, $0x1;
	_ =	swait.ge [sflag:s14], $0x4000  }
0x1a: {  	s17 =	ssub.s32 s15, s17;
	[sflag:s14] =	ssyncset.done $0x0  }
0x1b: {  	s31 =	smax.u32 s17, $0x1;
	[sflag:s14] =	ssyncadd.s32 $0xFFFFC000  }
0x1c: {  	s16 =	sshll.u32 s16, $0xD;
	p0 =	sne.s32 s31, $0x1;
	_ =	swait.ge [sflag:s14], $0x4000  }
.Ltmp0:
0x1d: {  	s30 =	sadd.s32 s16, s2;
	[sflag:s14] =	ssyncset.done $0x0;
	(pc) =	sbr.rel @!p0 .LBB2_2-.Ltmp0, $4  }
0x1e: {  	s15 =	sadd.s32 $0x20000, s30;
	[sflag:s14] =	ssyncadd.s32 $0xFFFFC000  }
0x1f: {  	[hbm4b:s15+s3] =	stream.linear.scatter [tilespmem:s8], [sflag:$0x2], $0x10000, $0x38;
	[tilespmem:$0x10200] =	vst v63  }
0x20: {  	_ =	swait.ge [sflag:s6], $0x10000  }
0x21: {  	s16 =	sadd.s32 $0xFFFFFFFF, s31;
	[sflag:s6] =	ssyncset.done $0x0  }
.LBB2_1:
0x22: {  	p0 =	sne.s32 s16, $0x1;
	s16 =	sadd.s32 $0xFFFFFFFF, s16;
	[sflag:s6] =	ssyncadd.s32 $0xFFFF0000  }
0x23: {  	[tilespmem:s3], [sflag:$0x2] =	stream.strided.gather [hbm4b:s4+s5], $0x200, s7, s5, $0x38;
	[tilespmem:$0x10200] =	vst v63  }
0x24: {  	_ =	swait.ge [sflag:s6], $0x200  }
0x25: {  	[sflag:s6] =	ssyncset.done $0x0  }
0x26: {  	[sflag:s6] =	ssyncadd.s32 $0xFFFFFE00  }
0x27: {  	[tilespmem:s8], [sflag:$0x1] =	stream.indirect.gather [hbm4b:s2+s5], $0x80, s3, s5, $0xb8;
	[tilespmem:$0x10200] =	vst v63  }
0x28: {  	_ = 	snop  }
0x29: {  	[tilespmem:s9], [sflag:$0x1] =	stream.indirect.gather [hbm4b:s2+s5], $0x80, s5, s5, $0xb8;
	[tilespmem:$0x10200] =	vst v63  }
0x2a: {  	_ = 	snop  }
0x2b: {  	[tilespmem:s11], [sflag:$0x1] =	stream.indirect.gather [hbm4b:s2+s5], $0x80, s10, s5, $0xb8;
	[tilespmem:$0x10200] =	vst v63  }
0x2c: {  	_ = 	snop  }
0x2d: {  	[tilespmem:s13], [sflag:$0x1] =	stream.indirect.gather [hbm4b:s2+s5], $0x80, s12, s5, $0xb8;
	[tilespmem:$0x10200] =	vst v63  }
0x2e: {  	_ =	swait.ge [sflag:s14], $0x4000  }
0x2f: {  	[sflag:s14] =	ssyncset.done $0x0  }
0x30: {  	[sflag:s14] =	ssyncadd.s32 $0xFFFFC000  }
0x31: {  	_ =	swait.ge [sflag:s14], $0x4000  }
0x32: {  	[sflag:s14] =	ssyncset.done $0x0  }
0x33: {  	[sflag:s14] =	ssyncadd.s32 $0xFFFFC000  }
0x34: {  	_ =	swait.ge [sflag:s14], $0x4000  }
0x35: {  	[sflag:s14] =	ssyncset.done $0x0  }
0x36: {  	[sflag:s14] =	ssyncadd.s32 $0xFFFFC000  }
0x37: {  	_ =	swait.ge [sflag:s14], $0x4000  }
.Ltmp1:
0x38: {  	[sflag:s14] =	ssyncset.done $0x0;
	(pc) =	sbr.rel @p0 .LBB2_1-.Ltmp1, $4  }
0x39: {  	[sflag:s14] =	ssyncadd.s32 $0xFFFFC000  }
0x3a: {  	[hbm4b:s15+s3] =	stream.linear.scatter [tilespmem:s8], [sflag:$0x2], $0x10000, $0x38;
	[tilespmem:$0x10200] =	vst v63  }
0x3b: {  	_ =	swait.ge [sflag:s6], $0x10000  }
0x3c: {  	[sflag:s6] =	ssyncset.done $0x0  }
.LBB2_2:
0x3d: {  	[sflag:s6] =	ssyncadd.s32 $0xFFFF0000  }
0x3e: {  	_ =	sfence.sel $0x180000  }
0x3f: {  	[bflag:$0x0] =	sbarrier.arrive $0xFFFF  }
0x40: {  	p0 =	sne.s32 s0, $0x0;
	_ =	strace $0x90000047  }
0x41: {  	s0 =	sadd.s32 @!p0 $0x100000, s1;
	[bflag:$0x2] =	sbarrier.arrive $0xFFFF  }
0x42: {  	[sflag:s0] =	ssyncadd.tile.s32 @!p0 $0x1;
	_ =	shalt  }
.Lfunc_end2:
_tile_overlayer_lowered:
.L_overlay_start_2:
0x43: {  	(tag) =	ssettag $0x2  }
0x44: {  	s0 =	rddreg [dreg:$0x0];
	s2 =	stileid.u32  }
0x45: {  	s1 =	rddreg [dreg:$0x1];
	p0 =	sne.s32 s2, $0x0  }
0x46: {  	s3 =	rddreg [dreg:$0x2];
	[bflag:$0x3] =	sbarrier.arrive $0xFFFF;
	s2 =	simm.s32 @!p0 $0x1C02  }
0x47: {  	[timem:s3], [sflag:s2] =	dma.local @!p0 [hbm:s0], s1  }
0x48: {  	s0 =	simm.s32 @!p0 $0x2  }
0x49: {  	_ =	swait.ge @!p0 [sflag:s0], s1  }
0x4a: {  	s1 =	ssub.s32 @!p0 $0x0, s1;
	[sflag:s0] =	ssyncset.done @!p0 $0x0  }
0x4b: {  	[sflag:s0] =	ssyncadd.s32 @!p0 s1  }
0x4c: {  	[bflag:$0x3] =	sbarrier.arrive $0xFFFF  }
0x4d: {  	_ =	shalt  }

</sc_bundles>
